<compile_context>
chip_gen: v7x
topology: tpu7x:2x2x1
jax: 0.10.2.dev20260603
libtpu: 0.0.44.dev20260713+nightly
codegen_flags: <defaults>
</compile_context>

<pallas_src>
import functools

import jax
import jax.numpy as jnp
from jax import lax
from jax.experimental import pallas as pl
from jax.experimental.pallas import tpu as pltpu
from jax.experimental.pallas import tpu_sc as plsc

_N = 100
_NP = 128
_E = 6400
_DO = 60
_NW = 10
_EPW = _E // _NW
_HW = _NP * _NP


def _sc_edge_counts_body(edge_hbm, zeros_hbm, out_hbm, src_v, dst_v, m_v):
    cid = lax.axis_index("c")
    sid = lax.axis_index("s")
    wid = sid * 2 + cid

    @pl.when(wid < _NW)
    def _():
        base = wid * _EPW
        pltpu.sync_copy(edge_hbm.at[0].at[pl.ds(base, _EPW)], src_v)
        pltpu.sync_copy(edge_hbm.at[1].at[pl.ds(base, _EPW)], dst_v)
        pltpu.sync_copy(zeros_hbm, m_v)

        def body(i, carry):
            s = src_v[pl.ds(i * 16, 16)]
            d = dst_v[pl.ds(i * 16, 16)]
            ew = jnp.where(s == d, jnp.float32(0.0), jnp.float32(1.0))
            plsc.addupdate_scatter(m_v, [s * _NP + d], ew)
            return carry

        lax.fori_loop(0, _EPW // 16, body, 0)
        pltpu.sync_copy(m_v, out_hbm.at[pl.ds(wid * _HW, _HW)])


@functools.cache
def _sc_edge_counts():
    mesh = plsc.VectorSubcoreMesh(core_axis_name="c", subcore_axis_name="s")
    return pl.kernel(
        _sc_edge_counts_body,
        mesh=mesh,
        out_type=jax.ShapeDtypeStruct((_NW * _HW,), jnp.float32),
        scratch_types=[
            pltpu.VMEM((_EPW,), jnp.int32),
            pltpu.VMEM((_EPW,), jnp.int32),
            pltpu.VMEM((_HW,), jnp.float32),
        ],
        compiler_params=pltpu.CompilerParams(needs_layout_passes=False),
    )


def _conv_body(sf_ref, m_ref, wa_ref, ba_ref, wc_ref, bc_ref, ga_ref, gc_ref):
    x = sf_ref[0]
    m = m_ref[0:_N, :]
    for w in range(1, _NW):
        m = m + m_ref[w * _NP:w * _NP + _N, :]
    deg = jnp.sum(m, axis=1, keepdims=True)
    dis = jnp.where(deg > 0, 1.0 / jnp.sqrt(jnp.maximum(deg, 1.0)), 0.0)

    def prop(h):
        z = lax.dot_general(m, dis * h, (((0,), (0,)), ((), ())),
                            preferred_element_type=jnp.float32,
                            precision=lax.Precision.HIGHEST)
        return -dis * z[0:_N, :]

    tx1 = prop(x)
    tx2 = 2.0 * prop(tx1) - x

    def head(w_ref, b_ref, g_ref):
        conv = (jnp.dot(x, w_ref[0], preferred_element_type=jnp.float32)
                + jnp.dot(tx1, w_ref[1], preferred_element_type=jnp.float32)
                + jnp.dot(tx2, w_ref[2], preferred_element_type=jnp.float32)
                + b_ref[...])
        g_ref[...] = jnp.tanh(conv)

    head(wa_ref, ba_ref, ga_ref)
    head(wc_ref, bc_ref, gc_ref)


def _conv_call(sf, m, wa, ba, wc, bc):
    return pl.pallas_call(
        _conv_body,
        out_shape=(
            jax.ShapeDtypeStruct((_N, _DO), jnp.float32),
            jax.ShapeDtypeStruct((_N, _DO), jnp.float32),
        ),
    )(sf, m, wa, ba, wc, bc)


def _fc_body(ca_ref, cc_ref, wa_ref, ba_ref, wc_ref, bc_ref, log_ref, val_ref):
    log_ref[...] = (
        jnp.dot(ca_ref[...], wa_ref[...], preferred_element_type=jnp.float32)
        + ba_ref[...]
    )
    val_ref[...] = (
        jnp.dot(cc_ref[...], wc_ref[...], preferred_element_type=jnp.float32,
                precision=lax.Precision.HIGHEST)
        + bc_ref[...]
    )


def _fc_call(cat_a, cat_c, wa, ba, wc, bc):
    return pl.pallas_call(
        _fc_body,
        out_shape=(
            jax.ShapeDtypeStruct((1, 100), jnp.float32),
            jax.ShapeDtypeStruct((1, 1), jnp.float32),
        ),
    )(cat_a, cat_c, wa, ba, wc, bc)


def kernel(substrate_features, edge_index, v_cpu_demand_t, v_bw_demand_t,
           num_pending_v_nodes_t, W_actor_conv, b_actor_conv, W_critic_conv,
           b_critic_conv, W_actor_fc, b_actor_fc, W_critic_fc, b_critic_fc):
    zeros = jnp.zeros((_HW,), jnp.float32)
    m = _sc_edge_counts()(edge_index, zeros).reshape(_NW * _NP, _NP)

    ga, gc = _conv_call(
        substrate_features, m,
        W_actor_conv, b_actor_conv[None, :],
        W_critic_conv, b_critic_conv[None, :],
    )

    scal = [v_cpu_demand_t[None, :], v_bw_demand_t[None, :],
            num_pending_v_nodes_t[None, :]]
    cat_a = jnp.concatenate([ga.reshape(1, _N * _DO)] + scal, axis=1)
    cat_c = jnp.concatenate([gc.reshape(1, _N * _DO)] + scal, axis=1)

    logits, values = _fc_call(
        cat_a, cat_c,
        W_actor_fc, b_actor_fc[None, :],
        W_critic_fc, b_critic_fc[None, :],
    )
    return (logits, values)

# --- scband reference (transcript-rebuilt; emitter-appended) ---
"""Pipeline reference for scband-a3-c-model-27848567947758 (READ-ONLY COPY).

The authoritative reference and input builder live on the scoring server;
editing this copy changes nothing except your own understanding.
"""

import jax, jax.numpy as jnp
import numpy as np

N_NODES = 100
D_FEAT = 512
D_OUT = 60
K_CHEB = 3
ACTION_DIM = 100
FC_IN = N_NODES * D_OUT + 3  # 6003


def cheb_conv(x, edge_index, W, b):
    # Faithful PyG ChebConv (K=3, sym normalization, lambda_max=2.0):
    # L_hat = (2/lambda_max) * L - I = -D^{-1/2} A D^{-1/2} (zero diagonal)
    src = edge_index[0]
    dst = edge_index[1]
    N = x.shape[1]
    ew = jnp.where(src == dst, 0.0, 1.0).astype(x.dtype)  # remove_self_loops
    deg = jnp.zeros((N,), x.dtype).at[src].add(ew)
    dis = jnp.where(deg > 0, 1.0 / jnp.sqrt(jnp.where(deg > 0, deg, 1.0)), 0.0)
    norm = -dis[src] * ew * dis[dst]

    def prop(h):
        msgs = norm[None, :, None] * h[:, src, :]
        return jnp.zeros_like(h).at[:, dst, :].add(msgs)

    Tx0 = x
    Tx1 = prop(Tx0)
    Tx2 = 2.0 * prop(Tx1) - Tx0
    out = Tx0 @ W[0] + Tx1 @ W[1] + Tx2 @ W[2] + b
    return out


def setup_inputs(seed: int = 0) -> dict:
    key = jax.random.key(seed)
    ks = jax.random.split(key, 14)
    substrate_features = jax.random.normal(ks[0], (1, N_NODES, D_FEAT), dtype=jnp.float32)
    edge_index = jax.random.randint(ks[1], (2, 6400), 0, N_NODES, dtype=jnp.int32)
    v_cpu_demand_t = jax.random.uniform(ks[2], (1,), dtype=jnp.float32)
    v_bw_demand_t = jax.random.uniform(ks[3], (1,), dtype=jnp.float32)
    num_pending_v_nodes_t = jax.random.uniform(ks[4], (1,), dtype=jnp.float32)
    W_actor_conv = 0.1 * jax.random.normal(ks[5], (K_CHEB, D_FEAT, D_OUT), dtype=jnp.float32)
    b_actor_conv = 0.1 * jax.random.normal(ks[6], (D_OUT,), dtype=jnp.float32)
    W_critic_conv = 0.1 * jax.random.normal(ks[7], (K_CHEB, D_FEAT, D_OUT), dtype=jnp.float32)
    b_critic_conv = 0.1 * jax.random.normal(ks[8], (D_OUT,), dtype=jnp.float32)
    W_actor_fc = 0.02 * jax.random.normal(ks[9], (FC_IN, ACTION_DIM), dtype=jnp.float32)
    b_actor_fc = 0.02 * jax.random.normal(ks[10], (ACTION_DIM,), dtype=jnp.float32)
    W_critic_fc = 0.02 * jax.random.normal(ks[11], (FC_IN, 1), dtype=jnp.float32)
    b_critic_fc = 0.02 * jax.random.normal(ks[12], (1,), dtype=jnp.float32)
    return {
        "substrate_features": substrate_features,
        "edge_index": edge_index,
        "v_cpu_demand_t": v_cpu_demand_t,
        "v_bw_demand_t": v_bw_demand_t,
        "num_pending_v_nodes_t": num_pending_v_nodes_t,
        "W_actor_conv": W_actor_conv,
        "b_actor_conv": b_actor_conv,
        "W_critic_conv": W_critic_conv,
        "b_critic_conv": b_critic_conv,
        "W_actor_fc": W_actor_fc,
        "b_actor_fc": b_actor_fc,
        "W_critic_fc": W_critic_fc,
        "b_critic_fc": b_critic_fc,
    }


def reference(substrate_features, edge_index, v_cpu_demand_t, v_bw_demand_t,
              num_pending_v_nodes_t, W_actor_conv, b_actor_conv, W_critic_conv,
              b_critic_conv, W_actor_fc, b_actor_fc, W_critic_fc, b_critic_fc):
    ga = jnp.tanh(cheb_conv(substrate_features, edge_index, W_actor_conv, b_actor_conv))
    ga = ga.reshape(ga.shape[0], -1)  # flatten(start_dim=1, end_dim=2)
    gc = jnp.tanh(cheb_conv(substrate_features, edge_index, W_critic_conv, b_critic_conv))
    gc = gc.reshape(gc.shape[0], -1)
    vc = v_cpu_demand_t[None, :]          # unsqueeze(0) -> [1,1]
    vb = v_bw_demand_t[None, :]
    npend = num_pending_v_nodes_t[None, :]
    cat_a = jnp.concatenate([ga, vc, vb, npend], axis=1)
    cat_c = jnp.concatenate([gc, vc, vb, npend], axis=1)
    logits = cat_a @ W_actor_fc + b_actor_fc
    values = cat_c @ W_critic_fc + b_critic_fc
    return (logits, values)

if __name__ == "__main__":
    import jax
    _d = setup_inputs()
    print(jax.jit(kernel)(*tuple(_d.values())))

</pallas_src>

<mosaic_0001>
#map = affine_map<(d0, d1) -> (0, 0)>
#map1 = affine_map<(d0, d1) -> (0)>
module attributes {stable_mosaic.version = 14 : i64} {
  func.func @_sc_edge_counts_body(%arg0: i32, %arg1: i32, %arg2: memref<2x6400xi32, #tpu.memory_space<hbm>>, %arg3: memref<16384xf32, #tpu.memory_space<hbm>>, %arg4: memref<163840xf32, #tpu.memory_space<hbm>>, %arg5: memref<640xi32, #tpu.memory_space<vmem>>, %arg6: memref<640xi32, #tpu.memory_space<vmem>>, %arg7: memref<16384xf32, #tpu.memory_space<vmem>>) attributes {dimension_semantics = [#tpu.dimension_semantics<core_parallel>, #tpu.dimension_semantics<subcore_parallel>], iteration_bounds = array<i64: 2, 16>, scalar_prefetch = 0 : i64, scratch_operands = 3 : i64, tpu.core_type = #tpu.core_type<sc_vector_subcore>, window_params = [{transform_indices = #map}, {transform_indices = #map1}, {transform_indices = #map1}]} {
    %mul3A = arith.constant 2 : i32
    %mul3A_0 = arith.muli %arg1, %mul3A : i32
    %add3A = arith.addi %mul3A_0, %arg0 : i32
    %lt3A = arith.constant 10 : i32
    %lt3A_1 = arith.cmpi slt, %add3A, %lt3A : i32
    %convert_element_type3A = arith.extui %lt3A_1 : i1 to i32
    %cond3A = arith.constant 0 : i32
    %cond3A_2 = arith.cmpi ne, %convert_element_type3A, %cond3A : i32
    scf.if %cond3A_2 {
      %mul3A_3 = arith.constant 640 : i32
      %mul3A_4 = arith.muli %add3A, %mul3A_3 : i32
      %run_scoped3A = arith.constant 0 : i32
      "tpu.region"() ({
        %run_scoped3A_13 = tpu.sem_alloc : memref<!tpu.dma_semaphore, #tpu.memory_space<semaphore_mem>>
        %dma_start3A = arith.constant 0 : i32
        %dma_start3A_14 = tpu.memref_slice %arg2[%run_scoped3A, %dma_start3A] : memref<2x6400xi32, #tpu.memory_space<hbm>> -> memref<1x6400xi32, #tpu.memory_space<hbm>>
        %dma_start3A_15 = tpu.memref_squeeze %dma_start3A_14 : memref<1x6400xi32, #tpu.memory_space<hbm>> -> memref<6400xi32, #tpu.memory_space<hbm>>
        %dma_start3A_16 = tpu.memref_slice %dma_start3A_15[%mul3A_4] : memref<6400xi32, #tpu.memory_space<hbm>> -> memref<640xi32, #tpu.memory_space<hbm>>
        %dma_start3A_17 = arith.constant 0 : i32
        %dma_start3A_18 = tpu.memref_slice %arg2[%run_scoped3A, %dma_start3A_17] : memref<2x6400xi32, #tpu.memory_space<hbm>> -> memref<1x6400xi32, #tpu.memory_space<hbm>>
        %dma_start3A_19 = tpu.memref_squeeze %dma_start3A_18 : memref<1x6400xi32, #tpu.memory_space<hbm>> -> memref<6400xi32, #tpu.memory_space<hbm>>
        %dma_start3A_20 = tpu.memref_slice %dma_start3A_19[%mul3A_4] : memref<6400xi32, #tpu.memory_space<hbm>> -> memref<640xi32, #tpu.memory_space<hbm>>
        tpu.enqueue_dma source(%dma_start3A_20 : memref<640xi32, #tpu.memory_space<hbm>>) target(%arg5 : memref<640xi32, #tpu.memory_space<vmem>>) target_semaphore(%run_scoped3A_13 : memref<!tpu.dma_semaphore, #tpu.memory_space<semaphore_mem>>)
        %dma_wait3A = arith.constant 0 : i32
        %dma_wait3A_21 = tpu.memref_slice %arg2[%run_scoped3A, %dma_wait3A] : memref<2x6400xi32, #tpu.memory_space<hbm>> -> memref<1x6400xi32, #tpu.memory_space<hbm>>
        %dma_wait3A_22 = tpu.memref_squeeze %dma_wait3A_21 : memref<1x6400xi32, #tpu.memory_space<hbm>> -> memref<6400xi32, #tpu.memory_space<hbm>>
        %dma_wait3A_23 = tpu.memref_slice %dma_wait3A_22[%mul3A_4] : memref<6400xi32, #tpu.memory_space<hbm>> -> memref<640xi32, #tpu.memory_space<hbm>>
        %dma_wait3A_24 = arith.constant 0 : i32
        %dma_wait3A_25 = tpu.memref_slice %arg2[%run_scoped3A, %dma_wait3A_24] : memref<2x6400xi32, #tpu.memory_space<hbm>> -> memref<1x6400xi32, #tpu.memory_space<hbm>>
        %dma_wait3A_26 = tpu.memref_squeeze %dma_wait3A_25 : memref<1x6400xi32, #tpu.memory_space<hbm>> -> memref<6400xi32, #tpu.memory_space<hbm>>
        %dma_wait3A_27 = tpu.memref_slice %dma_wait3A_26[%mul3A_4] : memref<6400xi32, #tpu.memory_space<hbm>> -> memref<640xi32, #tpu.memory_space<hbm>>
        tpu.wait_dma2 semaphore(%run_scoped3A_13 : memref<!tpu.dma_semaphore, #tpu.memory_space<semaphore_mem>>) src(%dma_wait3A_27 : memref<640xi32, #tpu.memory_space<hbm>>) dst(%arg5 : memref<640xi32, #tpu.memory_space<vmem>>)
        tpu.yield
      }) : () -> ()
      %run_scoped3A_5 = arith.constant 1 : i32
      "tpu.region"() ({
        %run_scoped3A_13 = tpu.sem_alloc : memref<!tpu.dma_semaphore, #tpu.memory_space<semaphore_mem>>
        %dma_start3A = arith.constant 0 : i32
        %dma_start3A_14 = tpu.memref_slice %arg2[%run_scoped3A_5, %dma_start3A] : memref<2x6400xi32, #tpu.memory_space<hbm>> -> memref<1x6400xi32, #tpu.memory_space<hbm>>
        %dma_start3A_15 = tpu.memref_squeeze %dma_start3A_14 : memref<1x6400xi32, #tpu.memory_space<hbm>> -> memref<6400xi32, #tpu.memory_space<hbm>>
        %dma_start3A_16 = tpu.memref_slice %dma_start3A_15[%mul3A_4] : memref<6400xi32, #tpu.memory_space<hbm>> -> memref<640xi32, #tpu.memory_space<hbm>>
        %dma_start3A_17 = arith.constant 0 : i32
        %dma_start3A_18 = tpu.memref_slice %arg2[%run_scoped3A_5, %dma_start3A_17] : memref<2x6400xi32, #tpu.memory_space<hbm>> -> memref<1x6400xi32, #tpu.memory_space<hbm>>
        %dma_start3A_19 = tpu.memref_squeeze %dma_start3A_18 : memref<1x6400xi32, #tpu.memory_space<hbm>> -> memref<6400xi32, #tpu.memory_space<hbm>>
        %dma_start3A_20 = tpu.memref_slice %dma_start3A_19[%mul3A_4] : memref<6400xi32, #tpu.memory_space<hbm>> -> memref<640xi32, #tpu.memory_space<hbm>>
        tpu.enqueue_dma source(%dma_start3A_20 : memref<640xi32, #tpu.memory_space<hbm>>) target(%arg6 : memref<640xi32, #tpu.memory_space<vmem>>) target_semaphore(%run_scoped3A_13 : memref<!tpu.dma_semaphore, #tpu.memory_space<semaphore_mem>>)
        %dma_wait3A = arith.constant 0 : i32
        %dma_wait3A_21 = tpu.memref_slice %arg2[%run_scoped3A_5, %dma_wait3A] : memref<2x6400xi32, #tpu.memory_space<hbm>> -> memref<1x6400xi32, #tpu.memory_space<hbm>>
        %dma_wait3A_22 = tpu.memref_squeeze %dma_wait3A_21 : memref<1x6400xi32, #tpu.memory_space<hbm>> -> memref<6400xi32, #tpu.memory_space<hbm>>
        %dma_wait3A_23 = tpu.memref_slice %dma_wait3A_22[%mul3A_4] : memref<6400xi32, #tpu.memory_space<hbm>> -> memref<640xi32, #tpu.memory_space<hbm>>
        %dma_wait3A_24 = arith.constant 0 : i32
        %dma_wait3A_25 = tpu.memref_slice %arg2[%run_scoped3A_5, %dma_wait3A_24] : memref<2x6400xi32, #tpu.memory_space<hbm>> -> memref<1x6400xi32, #tpu.memory_space<hbm>>
        %dma_wait3A_26 = tpu.memref_squeeze %dma_wait3A_25 : memref<1x6400xi32, #tpu.memory_space<hbm>> -> memref<6400xi32, #tpu.memory_space<hbm>>
        %dma_wait3A_27 = tpu.memref_slice %dma_wait3A_26[%mul3A_4] : memref<6400xi32, #tpu.memory_space<hbm>> -> memref<640xi32, #tpu.memory_space<hbm>>
        tpu.wait_dma2 semaphore(%run_scoped3A_13 : memref<!tpu.dma_semaphore, #tpu.memory_space<semaphore_mem>>) src(%dma_wait3A_27 : memref<640xi32, #tpu.memory_space<hbm>>) dst(%arg6 : memref<640xi32, #tpu.memory_space<vmem>>)
        tpu.yield
      }) : () -> ()
      "tpu.region"() ({
        %run_scoped3A_13 = tpu.sem_alloc : memref<!tpu.dma_semaphore, #tpu.memory_space<semaphore_mem>>
        tpu.enqueue_dma source(%arg3 : memref<16384xf32, #tpu.memory_space<hbm>>) target(%arg7 : memref<16384xf32, #tpu.memory_space<vmem>>) target_semaphore(%run_scoped3A_13 : memref<!tpu.dma_semaphore, #tpu.memory_space<semaphore_mem>>)
        tpu.wait_dma2 semaphore(%run_scoped3A_13 : memref<!tpu.dma_semaphore, #tpu.memory_space<semaphore_mem>>) src(%arg3 : memref<16384xf32, #tpu.memory_space<hbm>>) dst(%arg7 : memref<16384xf32, #tpu.memory_space<vmem>>)
        tpu.yield
      }) : () -> ()
      %scan3A = arith.constant 0 : i32
      %scan3A_6 = arith.constant 0 : i32
      %scan3A_7 = arith.constant 40 : i32
      %scan3A_8 = arith.addi %scan3A_6, %scan3A_7 : i32
      %scan3A_9 = arith.constant 1 : i32
      scf.for %scan3A_13 = %scan3A_6 to %scan3A_8 step %scan3A_9  : i32 {
        %mul3A_14 = arith.constant 16 : i32
        %mul3A_15 = arith.muli %scan3A_13, %mul3A_14 : i32
        %get3A = arith.index_cast %mul3A_15 : i32 to index
        %get3A_16 = tpu.vector_load %arg5[%get3A] {strides = array<i32>} : memref<640xi32, #tpu.memory_space<vmem>>, vector<16xi32>,
        %mul3A_17 = arith.constant 16 : i32
        %mul3A_18 = arith.muli %scan3A_13, %mul3A_17 : i32
        %get3A_19 = arith.index_cast %mul3A_18 : i32 to index
        %get3A_20 = tpu.vector_load %arg6[%get3A_19] {strides = array<i32>} : memref<640xi32, #tpu.memory_space<vmem>>, vector<16xi32>,
        %eq3A = arith.cmpi eq, %get3A_16, %get3A_20 : vector<16xi32>
        %jit3A = arith.constant 0.000000e+00 : f32
        %jit3A_21 = arith.constant 1.000000e+00 : f32
        %broadcast_in_dim3A = vector.broadcast %jit3A : f32 to vector<16xf32>
        %broadcast_in_dim3A_22 = vector.broadcast %jit3A_21 : f32 to vector<16xf32>
        %select_n3A = arith.select %eq3A, %broadcast_in_dim3A, %broadcast_in_dim3A_22 : vector<16xi1>, vector<16xf32>
        %mul3A_23 = arith.constant 128 : i32
        %mul3A_24 = vector.broadcast %mul3A_23 : i32 to vector<16xi32>
        %mul3A_25 = arith.muli %get3A_16, %mul3A_24 : vector<16xi32>
        %add3A_26 = arith.addi %mul3A_25, %get3A_20 : vector<16xi32>
        tpu.vector_store_idx %arg7[%add3A_26], %select_n3A {add = true} : memref<16384xf32, #tpu.memory_space<vmem>>[vector<16xi32>], vector<16xf32>,
      }
      %scan3A_10 = arith.constant 40 : i32
      %mul3A_11 = arith.constant 16384 : i32
      %mul3A_12 = arith.muli %add3A, %mul3A_11 : i32
      "tpu.region"() ({
        %run_scoped3A_13 = tpu.sem_alloc : memref<!tpu.dma_semaphore, #tpu.memory_space<semaphore_mem>>
        %dma_start3A = tpu.memref_slice %arg4[%mul3A_12] : memref<163840xf32, #tpu.memory_space<hbm>> -> memref<16384xf32, #tpu.memory_space<hbm>>
        %dma_start3A_14 = tpu.memref_slice %arg4[%mul3A_12] : memref<163840xf32, #tpu.memory_space<hbm>> -> memref<16384xf32, #tpu.memory_space<hbm>>
        tpu.enqueue_dma source(%arg7 : memref<16384xf32, #tpu.memory_space<vmem>>) target(%dma_start3A_14 : memref<16384xf32, #tpu.memory_space<hbm>>) target_semaphore(%run_scoped3A_13 : memref<!tpu.dma_semaphore, #tpu.memory_space<semaphore_mem>>)
        %dma_wait3A = tpu.memref_slice %arg4[%mul3A_12] : memref<163840xf32, #tpu.memory_space<hbm>> -> memref<16384xf32, #tpu.memory_space<hbm>>
        %dma_wait3A_15 = tpu.memref_slice %arg4[%mul3A_12] : memref<163840xf32, #tpu.memory_space<hbm>> -> memref<16384xf32, #tpu.memory_space<hbm>>
        tpu.wait_dma2 semaphore(%run_scoped3A_13 : memref<!tpu.dma_semaphore, #tpu.memory_space<semaphore_mem>>) src(%arg7 : memref<16384xf32, #tpu.memory_space<vmem>>) dst(%dma_wait3A_15 : memref<16384xf32, #tpu.memory_space<hbm>>)
        tpu.yield
      }) : () -> ()
    } else {
    }
    return
  }
}

module attributes {stable_mosaic.version = 14 : i64} {
  func.func @_conv_body(%arg0: memref<1x100x512xf32, #tpu.memory_space<vmem>>, %arg1: memref<1280x128xf32, #tpu.memory_space<vmem>>, %arg2: memref<3x512x60xf32, #tpu.memory_space<vmem>>, %arg3: memref<1x60xf32, #tpu.memory_space<vmem>>, %arg4: memref<3x512x60xf32, #tpu.memory_space<vmem>>, %arg5: memref<1x60xf32, #tpu.memory_space<vmem>>, %arg6: memref<100x60xf32, #tpu.memory_space<vmem>>, %arg7: memref<100x60xf32, #tpu.memory_space<vmem>>) attributes {dimension_semantics = [], scalar_prefetch = 0 : i64, scratch_operands = 0 : i64, tpu.core_type = #tpu.core_type<tc>} {
    %get3A = arith.constant 0 : index
    %get3A_0 = arith.constant 0 : index
    %get3A_1 = arith.constant 0 : index
    %get3A_2 = vector.load %arg0[%get3A, %get3A_0, %get3A_1] : memref<1x100x512xf32, #tpu.memory_space<vmem>>, vector<1x100x512xf32>
    %get3A_3 = vector.shape_cast %get3A_2 : vector<1x100x512xf32> to vector<100x512xf32>
    %get3A_4 = arith.constant 0 : index
    %get3A_5 = arith.constant 0 : index
    %get3A_6 = vector.load %arg1[%get3A_4, %get3A_5] : memref<1280x128xf32, #tpu.memory_space<vmem>>, vector<100x128xf32>
    %get3A_7 = arith.constant 128 : index
    %get3A_8 = arith.constant 0 : index
    %get3A_9 = vector.load %arg1[%get3A_7, %get3A_8] : memref<1280x128xf32, #tpu.memory_space<vmem>>, vector<100x128xf32>
    %add3A = arith.addf %get3A_6, %get3A_9 : vector<100x128xf32>
    %get3A_10 = arith.constant 256 : index
    %get3A_11 = arith.constant 0 : index
    %get3A_12 = vector.load %arg1[%get3A_10, %get3A_11] : memref<1280x128xf32, #tpu.memory_space<vmem>>, vector<100x128xf32>
    %add3A_13 = arith.addf %add3A, %get3A_12 : vector<100x128xf32>
    %get3A_14 = arith.constant 384 : index
    %get3A_15 = arith.constant 0 : index
    %get3A_16 = vector.load %arg1[%get3A_14, %get3A_15] : memref<1280x128xf32, #tpu.memory_space<vmem>>, vector<100x128xf32>
    %add3A_17 = arith.addf %add3A_13, %get3A_16 : vector<100x128xf32>
    %get3A_18 = arith.constant 512 : index
    %get3A_19 = arith.constant 0 : index
    %get3A_20 = vector.load %arg1[%get3A_18, %get3A_19] : memref<1280x128xf32, #tpu.memory_space<vmem>>, vector<100x128xf32>
    %add3A_21 = arith.addf %add3A_17, %get3A_20 : vector<100x128xf32>
    %get3A_22 = arith.constant 640 : index
    %get3A_23 = arith.constant 0 : index
    %get3A_24 = vector.load %arg1[%get3A_22, %get3A_23] : memref<1280x128xf32, #tpu.memory_space<vmem>>, vector<100x128xf32>
    %add3A_25 = arith.addf %add3A_21, %get3A_24 : vector<100x128xf32>
    %get3A_26 = arith.constant 768 : index
    %get3A_27 = arith.constant 0 : index
    %get3A_28 = vector.load %arg1[%get3A_26, %get3A_27] : memref<1280x128xf32, #tpu.memory_space<vmem>>, vector<100x128xf32>
    %add3A_29 = arith.addf %add3A_25, %get3A_28 : vector<100x128xf32>
    %get3A_30 = arith.constant 896 : index
    %get3A_31 = arith.constant 0 : index
    %get3A_32 = vector.load %arg1[%get3A_30, %get3A_31] : memref<1280x128xf32, #tpu.memory_space<vmem>>, vector<100x128xf32>
    %add3A_33 = arith.addf %add3A_29, %get3A_32 : vector<100x128xf32>
    %get3A_34 = arith.constant 1024 : index
    %get3A_35 = arith.constant 0 : index
    %get3A_36 = vector.load %arg1[%get3A_34, %get3A_35] : memref<1280x128xf32, #tpu.memory_space<vmem>>, vector<100x128xf32>
    %add3A_37 = arith.addf %add3A_33, %get3A_36 : vector<100x128xf32>
    %get3A_38 = arith.constant 1152 : index
    %get3A_39 = arith.constant 0 : index
    %get3A_40 = vector.load %arg1[%get3A_38, %get3A_39] : memref<1280x128xf32, #tpu.memory_space<vmem>>, vector<100x128xf32>
    %add3A_41 = arith.addf %add3A_37, %get3A_40 : vector<100x128xf32>
    %reduce_sum3A = arith.constant dense<0.000000e+00> : vector<100xf32>
    %reduce_sum3A_42 = vector.multi_reduction <add>, %add3A_41, %reduce_sum3A [1] : vector<100x128xf32> to vector<100xf32>
    %broadcast_in_dim3A = vector.shape_cast %reduce_sum3A_42 : vector<100xf32> to vector<100x1xf32>
    %gt3A = arith.constant 0.000000e+00 : f32
    %gt3A_43 = vector.broadcast %gt3A : f32 to vector<100x1xf32>
    %gt3A_44 = arith.cmpf ogt, %broadcast_in_dim3A, %gt3A_43 : vector<100x1xf32>
    %max3A = arith.constant 1.000000e+00 : f32
    %max3A_45 = vector.broadcast %max3A : f32 to vector<100x1xf32>
    %max3A_46 = arith.maximumf %broadcast_in_dim3A, %max3A_45 : vector<100x1xf32>
    %sqrt3A = math.sqrt %max3A_46 : vector<100x1xf32>
    %div3A = arith.constant 1.000000e+00 : f32
    %div3A_47 = vector.broadcast %div3A : f32 to vector<100x1xf32>
    %div3A_48 = arith.divf %div3A_47, %sqrt3A : vector<100x1xf32>
    %jit3A = arith.constant 0.000000e+00 : f32
    %broadcast_in_dim3A_49 = vector.broadcast %jit3A : f32 to vector<100x1xf32>
    %select_n3A = arith.select %gt3A_44, %div3A_48, %broadcast_in_dim3A_49 : vector<100x1xi1>, vector<100x1xf32>
    %mul3A = vector.broadcast %select_n3A : vector<100x1xf32> to vector<100x512xf32>
    %mul3A_50 = arith.mulf %mul3A, %get3A_3 : vector<100x512xf32>
    %dot_general3A = arith.constant dense<0.000000e+00> : vector<128x512xf32>
    %dot_general3A_51 = tpu.matmul %add3A_41, %mul3A_50, %dot_general3A {dimension_numbers = #tpu.dot_dimension_numbers<[0], [0], [1], [1], [0, 1, 1, 1], [], []>, precision = #tpu.contract_precision<fp32>, transpose_lhs_hint = false} : vector<100x128xf32>, vector<100x512xf32>, vector<128x512xf32> -> vector<128x512xf32>
    %neg3A = arith.constant 0.000000e+00 : f32
    %neg3A_52 = vector.broadcast %neg3A : f32 to vector<100x1xf32>
    %neg3A_53 = arith.subf %neg3A_52, %select_n3A : vector<100x1xf32>
    %slice3A = vector.extract_strided_slice %dot_general3A_51 {offsets = [0, 0], sizes = [100, 512], strides = [1, 1]} : vector<128x512xf32> to vector<100x512xf32>
    %mul3A_54 = vector.broadcast %neg3A_53 : vector<100x1xf32> to vector<100x512xf32>
    %mul3A_55 = arith.mulf %mul3A_54, %slice3A : vector<100x512xf32>
    %mul3A_56 = vector.broadcast %select_n3A : vector<100x1xf32> to vector<100x512xf32>
    %mul3A_57 = arith.mulf %mul3A_56, %mul3A_55 : vector<100x512xf32>
    %dot_general3A_58 = arith.constant dense<0.000000e+00> : vector<128x512xf32>
    %dot_general3A_59 = tpu.matmul %add3A_41, %mul3A_57, %dot_general3A_58 {dimension_numbers = #tpu.dot_dimension_numbers<[0], [0], [1], [1], [0, 1, 1, 1], [], []>, precision = #tpu.contract_precision<fp32>, transpose_lhs_hint = false} : vector<100x128xf32>, vector<100x512xf32>, vector<128x512xf32> -> vector<128x512xf32>
    %neg3A_60 = arith.constant 0.000000e+00 : f32
    %neg3A_61 = vector.broadcast %neg3A_60 : f32 to vector<100x1xf32>
    %neg3A_62 = arith.subf %neg3A_61, %select_n3A : vector<100x1xf32>
    %slice3A_63 = vector.extract_strided_slice %dot_general3A_59 {offsets = [0, 0], sizes = [100, 512], strides = [1, 1]} : vector<128x512xf32> to vector<100x512xf32>
    %mul3A_64 = vector.broadcast %neg3A_62 : vector<100x1xf32> to vector<100x512xf32>
    %mul3A_65 = arith.mulf %mul3A_64, %slice3A_63 : vector<100x512xf32>
    %mul3A_66 = arith.constant 2.000000e+00 : f32
    %mul3A_67 = vector.broadcast %mul3A_66 : f32 to vector<100x512xf32>
    %mul3A_68 = arith.mulf %mul3A_67, %mul3A_65 : vector<100x512xf32>
    %sub3A = arith.subf %mul3A_68, %get3A_3 : vector<100x512xf32>
    %get3A_69 = arith.constant 0 : index
    %get3A_70 = arith.constant 0 : index
    %get3A_71 = arith.constant 0 : index
    %get3A_72 = vector.load %arg2[%get3A_69, %get3A_70, %get3A_71] : memref<3x512x60xf32, #tpu.memory_space<vmem>>, vector<1x512x60xf32>
    %get3A_73 = vector.shape_cast %get3A_72 : vector<1x512x60xf32> to vector<512x60xf32>
    %dot_general3A_74 = arith.constant dense<0.000000e+00> : vector<100x60xf32>
    %dot_general3A_75 = tpu.matmul %get3A_3, %get3A_73, %dot_general3A_74 {dimension_numbers = #tpu.dot_dimension_numbers<[1], [0], [0], [1], [0, 0, 1, 1], [], []>, transpose_lhs_hint = false} : vector<100x512xf32>, vector<512x60xf32>, vector<100x60xf32> -> vector<100x60xf32>
    %get3A_76 = arith.constant 1 : index
    %get3A_77 = arith.constant 0 : index
    %get3A_78 = arith.constant 0 : index
    %get3A_79 = vector.load %arg2[%get3A_76, %get3A_77, %get3A_78] : memref<3x512x60xf32, #tpu.memory_space<vmem>>, vector<1x512x60xf32>
    %get3A_80 = vector.shape_cast %get3A_79 : vector<1x512x60xf32> to vector<512x60xf32>
    %dot_general3A_81 = arith.constant dense<0.000000e+00> : vector<100x60xf32>
    %dot_general3A_82 = tpu.matmul %mul3A_55, %get3A_80, %dot_general3A_81 {dimension_numbers = #tpu.dot_dimension_numbers<[1], [0], [0], [1], [0, 0, 1, 1], [], []>, transpose_lhs_hint = false} : vector<100x512xf32>, vector<512x60xf32>, vector<100x60xf32> -> vector<100x60xf32>
    %add3A_83 = arith.addf %dot_general3A_75, %dot_general3A_82 : vector<100x60xf32>
    %get3A_84 = arith.constant 2 : index
    %get3A_85 = arith.constant 0 : index
    %get3A_86 = arith.constant 0 : index
    %get3A_87 = vector.load %arg2[%get3A_84, %get3A_85, %get3A_86] : memref<3x512x60xf32, #tpu.memory_space<vmem>>, vector<1x512x60xf32>
    %get3A_88 = vector.shape_cast %get3A_87 : vector<1x512x60xf32> to vector<512x60xf32>
    %dot_general3A_89 = arith.constant dense<0.000000e+00> : vector<100x60xf32>
    %dot_general3A_90 = tpu.matmul %sub3A, %get3A_88, %dot_general3A_89 {dimension_numbers = #tpu.dot_dimension_numbers<[1], [0], [0], [1], [0, 0, 1, 1], [], []>, transpose_lhs_hint = false} : vector<100x512xf32>, vector<512x60xf32>, vector<100x60xf32> -> vector<100x60xf32>
    %add3A_91 = arith.addf %add3A_83, %dot_general3A_90 : vector<100x60xf32>
    %get3A_92 = arith.constant 0 : index
    %get3A_93 = arith.constant 0 : index
    %get3A_94 = vector.load %arg3[%get3A_92, %get3A_93] : memref<1x60xf32, #tpu.memory_space<vmem>>, vector<1x60xf32>
    %add3A_95 = vector.broadcast %get3A_94 : vector<1x60xf32> to vector<100x60xf32>
    %add3A_96 = arith.addf %add3A_91, %add3A_95 : vector<100x60xf32>
    %tanh3A = math.tanh %add3A_96 : vector<100x60xf32>
    %swap3A = arith.constant 0 : index
    %swap3A_97 = arith.constant 0 : index
    %swap3A_98 = vector.load %arg6[%swap3A, %swap3A_97] : memref<100x60xf32, #tpu.memory_space<vmem>>, vector<100x60xf32>
    tpu.vector_store %arg6[%swap3A, %swap3A_97], %tanh3A {strides = array<i32>} : memref<100x60xf32, #tpu.memory_space<vmem>>, vector<100x60xf32>,
    %get3A_99 = arith.constant 0 : index
    %get3A_100 = arith.constant 0 : index
    %get3A_101 = arith.constant 0 : index
    %get3A_102 = vector.load %arg4[%get3A_99, %get3A_100, %get3A_101] : memref<3x512x60xf32, #tpu.memory_space<vmem>>, vector<1x512x60xf32>
    %get3A_103 = vector.shape_cast %get3A_102 : vector<1x512x60xf32> to vector<512x60xf32>
    %dot_general3A_104 = arith.constant dense<0.000000e+00> : vector<100x60xf32>
    %dot_general3A_105 = tpu.matmul %get3A_3, %get3A_103, %dot_general3A_104 {dimension_numbers = #tpu.dot_dimension_numbers<[1], [0], [0], [1], [0, 0, 1, 1], [], []>, transpose_lhs_hint = false} : vector<100x512xf32>, vector<512x60xf32>, vector<100x60xf32> -> vector<100x60xf32>
    %get3A_106 = arith.constant 1 : index
    %get3A_107 = arith.constant 0 : index
    %get3A_108 = arith.constant 0 : index
    %get3A_109 = vector.load %arg4[%get3A_106, %get3A_107, %get3A_108] : memref<3x512x60xf32, #tpu.memory_space<vmem>>, vector<1x512x60xf32>
    %get3A_110 = vector.shape_cast %get3A_109 : vector<1x512x60xf32> to vector<512x60xf32>
    %dot_general3A_111 = arith.constant dense<0.000000e+00> : vector<100x60xf32>
    %dot_general3A_112 = tpu.matmul %mul3A_55, %get3A_110, %dot_general3A_111 {dimension_numbers = #tpu.dot_dimension_numbers<[1], [0], [0], [1], [0, 0, 1, 1], [], []>, transpose_lhs_hint = false} : vector<100x512xf32>, vector<512x60xf32>, vector<100x60xf32> -> vector<100x60xf32>
    %add3A_113 = arith.addf %dot_general3A_105, %dot_general3A_112 : vector<100x60xf32>
    %get3A_114 = arith.constant 2 : index
    %get3A_115 = arith.constant 0 : index
    %get3A_116 = arith.constant 0 : index
    %get3A_117 = vector.load %arg4[%get3A_114, %get3A_115, %get3A_116] : memref<3x512x60xf32, #tpu.memory_space<vmem>>, vector<1x512x60xf32>
    %get3A_118 = vector.shape_cast %get3A_117 : vector<1x512x60xf32> to vector<512x60xf32>
    %dot_general3A_119 = arith.constant dense<0.000000e+00> : vector<100x60xf32>
    %dot_general3A_120 = tpu.matmul %sub3A, %get3A_118, %dot_general3A_119 {dimension_numbers = #tpu.dot_dimension_numbers<[1], [0], [0], [1], [0, 0, 1, 1], [], []>, transpose_lhs_hint = false} : vector<100x512xf32>, vector<512x60xf32>, vector<100x60xf32> -> vector<100x60xf32>
    %add3A_121 = arith.addf %add3A_113, %dot_general3A_120 : vector<100x60xf32>
    %get3A_122 = arith.constant 0 : index
    %get3A_123 = arith.constant 0 : index
    %get3A_124 = vector.load %arg5[%get3A_122, %get3A_123] : memref<1x60xf32, #tpu.memory_space<vmem>>, vector<1x60xf32>
    %add3A_125 = vector.broadcast %get3A_124 : vector<1x60xf32> to vector<100x60xf32>
    %add3A_126 = arith.addf %add3A_121, %add3A_125 : vector<100x60xf32>
    %tanh3A_127 = math.tanh %add3A_126 : vector<100x60xf32>
    %swap3A_128 = arith.constant 0 : index
    %swap3A_129 = arith.constant 0 : index
    %swap3A_130 = vector.load %arg7[%swap3A_128, %swap3A_129] : memref<100x60xf32, #tpu.memory_space<vmem>>, vector<100x60xf32>
    tpu.vector_store %arg7[%swap3A_128, %swap3A_129], %tanh3A_127 {strides = array<i32>} : memref<100x60xf32, #tpu.memory_space<vmem>>, vector<100x60xf32>,
    return
  }
}

module attributes {stable_mosaic.version = 14 : i64} {
  func.func @_fc_body(%arg0: memref<1x6003xf32, #tpu.memory_space<vmem>>, %arg1: memref<1x6003xf32, #tpu.memory_space<vmem>>, %arg2: memref<6003x100xf32, #tpu.memory_space<vmem>>, %arg3: memref<1x100xf32, #tpu.memory_space<vmem>>, %arg4: memref<6003x1xf32, #tpu.memory_space<vmem>>, %arg5: memref<1x1xf32, #tpu.memory_space<vmem>>, %arg6: memref<1x100xf32, #tpu.memory_space<vmem>>, %arg7: memref<1x1xf32, #tpu.memory_space<vmem>>) attributes {dimension_semantics = [], scalar_prefetch = 0 : i64, scratch_operands = 0 : i64, tpu.core_type = #tpu.core_type<tc>} {
    %get3A = arith.constant 0 : index
    %get3A_0 = arith.constant 0 : index
    %get3A_1 = vector.load %arg0[%get3A, %get3A_0] : memref<1x6003xf32, #tpu.memory_space<vmem>>, vector<1x6003xf32>
    %get3A_2 = arith.constant 0 : index
    %get3A_3 = arith.constant 0 : index
    %get3A_4 = vector.load %arg2[%get3A_2, %get3A_3] : memref<6003x100xf32, #tpu.memory_space<vmem>>, vector<6003x100xf32>
    %dot_general3A = arith.constant dense<0.000000e+00> : vector<1x100xf32>
    %dot_general3A_5 = tpu.matmul %get3A_1, %get3A_4, %dot_general3A {dimension_numbers = #tpu.dot_dimension_numbers<[1], [0], [0], [1], [0, 0, 1, 1], [], []>, transpose_lhs_hint = false} : vector<1x6003xf32>, vector<6003x100xf32>, vector<1x100xf32> -> vector<1x100xf32>
    %get3A_6 = arith.constant 0 : index
    %get3A_7 = arith.constant 0 : index
    %get3A_8 = vector.load %arg3[%get3A_6, %get3A_7] : memref<1x100xf32, #tpu.memory_space<vmem>>, vector<1x100xf32>
    %add3A = arith.addf %dot_general3A_5, %get3A_8 : vector<1x100xf32>
    %swap3A = arith.constant 0 : index
    %swap3A_9 = arith.constant 0 : index
    %swap3A_10 = vector.load %arg6[%swap3A, %swap3A_9] : memref<1x100xf32, #tpu.memory_space<vmem>>, vector<1x100xf32>
    tpu.vector_store %arg6[%swap3A, %swap3A_9], %add3A {strides = array<i32>} : memref<1x100xf32, #tpu.memory_space<vmem>>, vector<1x100xf32>,
    %get3A_11 = arith.constant 0 : index
    %get3A_12 = arith.constant 0 : index
    %get3A_13 = vector.load %arg1[%get3A_11, %get3A_12] : memref<1x6003xf32, #tpu.memory_space<vmem>>, vector<1x6003xf32>
    %get3A_14 = arith.constant 0 : index
    %get3A_15 = arith.constant 0 : index
    %get3A_16 = vector.load %arg4[%get3A_14, %get3A_15] : memref<6003x1xf32, #tpu.memory_space<vmem>>, vector<6003x1xf32>
    %dot_general3A_17 = arith.constant dense<0.000000e+00> : vector<1x1xf32>
    %dot_general3A_18 = tpu.matmul %get3A_13, %get3A_16, %dot_general3A_17 {dimension_numbers = #tpu.dot_dimension_numbers<[1], [0], [0], [1], [0, 0, 1, 1], [], []>, precision = #tpu.contract_precision<fp32>, transpose_lhs_hint = false} : vector<1x6003xf32>, vector<6003x1xf32>, vector<1x1xf32> -> vector<1x1xf32>
    %get3A_19 = arith.constant 0 : index
    %get3A_20 = arith.constant 0 : index
    %get3A_21 = vector.load %arg5[%get3A_19, %get3A_20] : memref<1x1xf32, #tpu.memory_space<vmem>>, vector<1x1xf32>
    %add3A_22 = arith.addf %dot_general3A_18, %get3A_21 : vector<1x1xf32>
    %swap3A_23 = arith.constant 0 : index
    %swap3A_24 = arith.constant 0 : index
    %swap3A_25 = vector.load %arg7[%swap3A_23, %swap3A_24] : memref<1x1xf32, #tpu.memory_space<vmem>>, vector<1x1xf32>
    tpu.vector_store %arg7[%swap3A_23, %swap3A_24], %add3A_22 {strides = array<i32>} : memref<1x1xf32, #tpu.memory_space<vmem>>, vector<1x1xf32>,
    return
  }
}

</mosaic_0001>

<sc_bundles>
// kernel: kernel.5.cloned.1.call-start
scs
__scs_entry_jumppad:
0x0: {  	(pc) =	sbr.rel $0x88, $3  }
0x1: {  	(tag) =	ssettag $0x0;
	lr =	simm.s32 $0x1  }
0x2: {  	[smem:$0x3F94] =	sst lr;
	_ =	strace $0xD0000000  }
0x3: {  	_ = 	snop  }
0x4: {  	_ = 	snop  }
0x5: {  	_ = 	snop  }
0x6: {  	_ = 	snop  }
0x7: {  	_ = 	snop  }
__scs_overlays_trampoline_lowered:
0x8: {  	[smem:$0x3FA3] =	sst s0  }
0x9: {  	[smem:$0x3FA4] =	sst s1  }
0xa: {  	[smem:$0x3FA5] =	sst s2  }
0xb: {  	[smem:$0x3FA6] =	sst s3  }
0xc: {  	[smem:$0x3FA7] =	sst s4  }
0xd: {  	[smem:$0x3FA8] =	sst s5  }
0xe: {  	[smem:$0x3FA9] =	sst s6  }
0xf: {  	[smem:$0x3FAA] =	sst s7  }
0x10: {  	[smem:$0x3FAB] =	sst s8  }
0x11: {  	[smem:$0x3FAC] =	sst s9;
	s0 =	simm.s32 @!p0 $0x0  }
0x12: {  	s1 =	sld [smem:$0x3F92];
	s0 =	simm.s32 @p0 $0x1  }
0x13: {  	[smem:$0x3FAD] =	sst s0;
	s0 =	simm.s32 @!p1 $0x0  }
0x14: {  	s2 =	sld [smem:$0x3F91];
	s0 =	simm.s32 @p1 $0x1  }
0x15: {  	[smem:$0x3FAE] =	sst s0;
	s0 =	simm.s32 @!p2 $0x0  }
0x16: {  	s3 =	sld [smem:$0x3FDB];
	s0 =	simm.s32 @p2 $0x1  }
0x17: {  	s4 =	simm.s32 $0x1BF5;
	[smem:$0x3FB0] =	sst s0  }
0x18: {  	s0 =	sld [smem:$0x3F93];
	_ =	swait.ge [sflag:s4], $0x0  }
0x19: {  	s7 =	sld [smem:$0x3F94]  }
0x1a: {  	s8 =	sadd.s32 $0xFFFFE003, lr  }
0x1b: {  	s9 =	sadd.s32 $0xFFFFFEF7, lr;
	s5 =	simm.s32 $0xFFFFFFFF;
	p2 =	slt.u32 s8, $0xFFFFF086  }
0x1c: {  	p1 =	slt.u32 s9, $0xF7A;
	s5 =	simm.s32 @!p2 $0x0  }
0x1d: {  	s5 =	simm.s32 @p1 $0x1;
	p0 =	seq.s32 s7, s2  }
0x1e: {  	s7 =	smul.u32 @!p0 $0xF7A, s2;
	p2 =	seq.s32 @!p0 s5, $0x0  }
0x1f: {  	s9 =	smul.u32 $0xF7A, s1;
	s8 =	simm.s32 @!p0 $0x1BF5;
	p2 =	por !p2, p0  }
0x20: {  	[sflag:s8] =	ssyncset.s32 @!p0 $0xFFFFF086;
	s6 =	sadd.s32 @!p0 s3, s7;
	s7 =	simm.s32 @!p0 $0x108  }
0x21: {  	s3 =	sadd.s32 s3, s9;
	s6 =	sadd.s32 @!p0 $0x88, s6;
	s7 =	simm.s32 @p2 $0x1082  }
0x22: {  	[simem:s7], [sflag:s8] =	dma.local @!p0 [hbm:s6], $0xF7A  }
0x23: {  	s9 =	sor.u32 $0xD0000000, s2;
	s6 =	simm.s32 $0x108;
	_ =	swait.ge @!p0 [sflag:s8], $0x0  }
0x24: {  	s3 =	sadd.s32 $0x88, s3;
	s6 =	simm.s32 @!p1 $0x1082;
	[sflag:s4] =	ssyncset.s32 $0xFFFFF086  }
0x25: {  	[simem:s6], [sflag:s4] =	dma.local [hbm:s3], $0xF7A  }
0x26: {  	[smem:$0x3F94] =	sst s1;
	(tag) =	ssettag s2;
	_ =	strace s9  }
0x27: {  	s1 =	sld [smem:$0x3FA4]  }
0x28: {  	s2 =	sld [smem:$0x3FA5]  }
0x29: {  	s4 =	sld [smem:$0x3FA7]  }
0x2a: {  	p0 =	seq.s32 s5, $0x0;
	s5 =	sld [smem:$0x3FA8]  }
0x2b: {  	s6 =	sld [smem:$0x3FA9]  }
0x2c: {  	s7 =	sld [smem:$0x3FAA]  }
0x2d: {  	s3 =	simm.s32 $0x108;
	s8 =	sld [smem:$0x3FAB]  }
0x2e: {  	s3 =	simm.s32 @!p0 $0x1082;
	s9 =	sld [smem:$0x3FAC]  }
0x2f: {  	lr =	sadd.s32 s0, s3;
	s0 =	sld [smem:$0x3FA3]  }
0x30: {  	s3 =	sld [smem:$0x3FA6]  }
0x31: {  	[smem:$0x3FAF] =	sst s10  }
0x32: {  	s10 =	sld [smem:$0x3FAD];
	_ =	sdelay $0x3  }
0x33: {  	p0 =	seq.s32 s10, $0x1;
	s10 =	sld [smem:$0x3FAF];
	_ =	sdelay $0x3  }
0x34: {  	[smem:$0x3FAF] =	sst s10  }
0x35: {  	s10 =	sld [smem:$0x3FAE];
	_ =	sdelay $0x3  }
0x36: {  	p1 =	seq.s32 s10, $0x1;
	s10 =	sld [smem:$0x3FAF];
	_ =	sdelay $0x3  }
0x37: {  	[smem:$0x3FAF] =	sst s10  }
0x38: {  	s10 =	sld [smem:$0x3FB0]  }
0x39: {  	_ = 	snop;
	(pc) =	sbr.ind lr, $3  }
0x3a: {  	_ = 	snop  }
0x3b: {  	_ = 	snop  }
0x3c: {  	p2 =	seq.s32 s10, $0x1;
	s10 =	sld [smem:$0x3FAF]  }
0x3d: {  	_ =	shalt  }
0x3e: {  	_ =	shalt  }
0x3f: {  	_ =	shalt  }
0x40: {  	_ =	shalt  }
0x41: {  	_ =	shalt  }
0x42: {  	_ =	shalt  }
0x43: {  	_ =	shalt  }
0x44: {  	_ =	shalt  }
0x45: {  	_ =	shalt  }
0x46: {  	_ =	shalt  }
0x47: {  	_ =	shalt  }
0x48: {  	_ =	shalt  }
0x49: {  	_ =	shalt  }
0x4a: {  	_ =	shalt  }
0x4b: {  	_ =	shalt  }
0x4c: {  	_ =	shalt  }
0x4d: {  	_ =	shalt  }
0x4e: {  	_ =	shalt  }
0x4f: {  	_ =	shalt  }
0x50: {  	_ =	shalt  }
0x51: {  	_ =	shalt  }
0x52: {  	_ =	shalt  }
0x53: {  	_ =	shalt  }
0x54: {  	_ =	shalt  }
0x55: {  	_ =	shalt  }
0x56: {  	_ =	shalt  }
0x57: {  	_ =	shalt  }
0x58: {  	_ =	shalt  }
0x59: {  	_ =	shalt  }
0x5a: {  	_ =	shalt  }
0x5b: {  	_ =	shalt  }
0x5c: {  	_ =	shalt  }
0x5d: {  	_ =	shalt  }
0x5e: {  	_ =	shalt  }
0x5f: {  	_ =	shalt  }
0x60: {  	_ =	shalt  }
0x61: {  	_ =	shalt  }
0x62: {  	_ =	shalt  }
0x63: {  	_ =	shalt  }
0x64: {  	_ =	shalt  }
0x65: {  	_ =	shalt  }
0x66: {  	_ =	shalt  }
0x67: {  	_ =	shalt  }
0x68: {  	_ =	shalt  }
0x69: {  	_ =	shalt  }
0x6a: {  	_ =	shalt  }
0x6b: {  	_ =	shalt  }
0x6c: {  	_ =	shalt  }
0x6d: {  	_ =	shalt  }
0x6e: {  	_ =	shalt  }
0x6f: {  	_ =	shalt  }
0x70: {  	_ =	shalt  }
0x71: {  	_ =	shalt  }
0x72: {  	_ =	shalt  }
0x73: {  	_ =	shalt  }
0x74: {  	_ =	shalt  }
0x75: {  	_ =	shalt  }
0x76: {  	_ =	shalt  }
0x77: {  	_ =	shalt  }
0x78: {  	_ =	shalt  }
0x79: {  	_ =	shalt  }
0x7a: {  	_ =	shalt  }
0x7b: {  	_ =	shalt  }
0x7c: {  	_ =	shalt  }
0x7d: {  	_ =	shalt  }
0x7e: {  	_ =	shalt  }
0x7f: {  	_ =	shalt  }
0x80: {  	_ =	shalt  }
0x81: {  	_ =	shalt  }
0x82: {  	_ =	shalt  }
0x83: {  	_ =	shalt  }
0x84: {  	_ =	shalt  }
0x85: {  	_ =	shalt  }
0x86: {  	_ =	shalt  }
0x87: {  	_ =	shalt  }
.Lfunc_end0:
.L_simem_size_0:
called_computation_lowered:
.L_overlay_start_0:
0x88: {  	s2 =	sld [smem:$0x3FD9]  }
0x89: {  	s3 =	sld [smem:$0x3FFE];
	_ =	sdelay $0x1  }
0x8a: {  	s1 =	srdreg.scid  }
0x8b: {  	s0 =	sand.u32 $0x1, s1  }
0x8c: {  	s17 =	sshll.u32 s0, $0xA;
	s2 =	sadd.s32 s3, s2  }
0x8d: {  	s2 =	sadd.s32 s2, s17  }
0x8e: {  	[smem:$0x3FBB] =	sst s2  }
0x8f: {  	_ = 	snop  }
0x90: {  	s2 =	sld [smem:$0x3FC8];
	(tm) =	ssettm $0x1  }
0x91: {  	s18 =	sld [smem:$0x3FFB];
	_ =	sdelay $0x3  }
0x92: {  	_ =	strace s18  }
0x93: {  	s3 =	sld [smem:$0x3FFC];
	_ =	sdelay $0x3  }
0x94: {  	_ =	strace s3  }
0x95: {  	s3 =	sld [smem:$0x3FFD];
	_ =	sdelay $0x3  }
0x96: {  	_ =	strace s3  }
0x97: {  	_ =	strace $0x8FFFFFFF  }
0x98: {  	s19 =	sld [smem:$0x3FDB];
	_ =	sdelay $0x1  }
0x99: {  	s4 =	simm.s32 $_scs_section_size  }
0x9a: {  	s5 =	simm.s32 $_size__tile_overlayer_lowered;
	s6 =	simm.s32 $_tile_overlayer_lowered  }
0x9b: {  	s22 =	simm.s32 $0x1BFF;
	s21 =	sshll.u32 s6, $0x1;
	s3 =	sadd.s32 s4, s19  }
0x9c: {  	s7 =	simm.s32 $0x0;
	s20 =	sshll.u32 s5, $0x1;
	s5 =	sadd.s32 s21, s3  }
0x9d: {  	[timem:s7], [sflag:s22] =	dma.local [hbm:s5], s20  }
0x9e: {  	_ =	swait.ge [sflag:s22], s20  }
0x9f: {  	s4 =	ssub.s32 $0x0, s20;
	[sflag:s22] =	ssyncset.done $0x0  }
0xa0: {  	[sflag:s22] =	ssyncadd.s32 s4;
	_ =	sdelay $0x1  }
0xa1: {  	s23 =	simm.s32 $0x1B8B  }
0xa2: {  	_ =	swait.ge [sflag:s23], $0x1  }
0xa3: {  	[sflag:s23] =	ssyncset.done $0x0  }
0xa4: {  	s25 =	simm.s32 $0x1B8E;
	s24 =	sld [smem:$0x3FFE];
	[sflag:s23] =	ssyncadd.s32 $0xFFFFFFFF  }
0xa5: {  	s26 =	simm.s32 $execute0_lowered;
	[smem:$0x3FD2] =	sst s25  }
0xa6: {  	s5 =	sshll.u32 s26, $0x1;
	_ =	strace $0x80000046;
	[dreg:$0x1] =	wrdreg $0xFFFFFFFF  }
0xa7: {  	s28 =	simm.s32 $_size_execute0_lowered;
	s3 =	sadd.s32 s3, s5;
	[dreg:$0x0] =	wrdreg $0x0  }
0xa8: {  	s5 =	sshll.u32 s28, $0x1;
	[dreg:$0x2] =	wrdreg s3  }
0xa9: {  	[dreg:$0x3] =	wrdreg s5  }
0xaa: {  	[dreg:$0x4] =	wrdreg $0xC0  }
0xab: {  	_ =	task [dreg:s7], $0x5FFFF  }
0xac: {  	[dreg:$0x1] =	wrdreg $0xFFFFFFFF  }
0xad: {  	[dreg:$0x0] =	wrdreg $0x60  }
0xae: {  	[dreg:$0x2] =	wrdreg s2  }
0xaf: {  	[dreg:$0x3] =	wrdreg s24  }
0xb0: {  	[dreg:$0x4] =	wrdreg $0x9  }
0xb1: {  	_ =	task.clear_ibuf [dreg:s7], $0x5FFFF;
	_ =	strace $0x90000046  }
0xb2: {  	s29 =	simm.s32 $0x9;
	_ =	strace $0x80000048  }
0xb3: {  	_ =	swait.ge [sflag:s29], $0x1  }
0xb4: {  	[sflag:s29] =	ssyncadd.s32 $0xFFFFFFFF  }
0xb5: {  	_ =	strace $0x90000048  }
0xb6: {  	_ =	sfence  }
0xb7: {  	s30 =	sld [smem:$0x0];
	_ =	sdelay $0x2  }
0xb8: {  	s31 =	sshll.u32 s1, $0xD;
	s1 =	sshrl.u32 s1, $0x2  }
0xb9: {  	s3 =	sand.u32 $0x4000, s31;
	s1 =	sadd.s32 s1, s30  }
0xba: {  	s0 =	sor.u32 s3, s0;
	s1 =	sshll.u32 s1, $0x11  }
0xbb: {  	s0 =	sor.u32 s1, s0  }
0xbc: {  	s0 =	sadd.s32 $0x8F2B, s0  }
0xbd: {  	[sflag:s0] =	ssyncadd.remote.s32 $0x1  }
0xbe: {  	_ =	sfence.sel $0xFFFF  }
0xbf: {  	[dreg:$0x0] =	wrdreg $0xFFFFFFFF;
	(pc) =	sbr.abs _section_cstart, $3  }
0xc0: {  	[dreg:$0x1] =	wrdreg $0xFFFFFFFF  }
0xc1: {  	_ =	task.clear_ibuf [dreg:s7], $0x2FFFF;
	_ =	strace $0x9FFFFFFF  }
0xc2: {  	(tm) =	ssettm $0x7FFFFFFF  }
0xc3: {  	_ =	shalt  }
tec
execute0_lowered:
.L_overlay_start_1:
0x0: {  	(tag) =	ssettag $0x1  }
0x1: {  	s1 =	stileid.u32  }
0x2: {  	p0 =	sgt.u32 s1, $0x4  }
.Ltmp0:
0x3: {  	_ = 	snop;
	(pc) =	sbr.rel @p0 .LBB2_5-.Ltmp0, $4  }
0x4: {  	s5 =	rddreg [dreg:$0x0]  }
0x5: {  	s4 =	rddreg [dreg:$0x1];
	s2 =	simm.s32 $0x0  }
0x6: {  	[smem:$0x7FF] =	sst s2  }
0x7: {  	s0 =	rddreg [dreg:$0x2];
	_ =	strace $0x80000047  }
0x8: {  	s3 =	srdreg.scid  }
0x9: {  	s29 =	sshll.u32 s1, $0x1;
	s11 =	sadd.s32 $0x10, s5;
	s9 =	simm.s32 $0x1  }
0xa: {  	s12 =	simm.s32 $0x500;
	s13 =	simm.s32 $0x0;
	s6 =	sand.u32 $0x1, s3  }
0xb: {  	s3 =	sadd.s32 $0x1800, s4;
	s7 =	sor.u32 s6, s29;
	s6 =	ssub.s32 $0x2, s6  }
0xc: {  	s8 =	sshll.u32 s7, $0xB;
	s10 =	smul.u32 $0xA0, s7;
	s31 =	sshrl.u32 s6, $0x1  }
0xd: {  	s7 =	simm.s32 $0x80;
	s30 =	sadd.s32 s8, s4;
	s6 =	ssub.s32 s6, s31  }
0xe: {  	s8 =	simm.s32 $0x100;
	s4 =	sadd.s32 $0x2000, s30;
	s5 =	sadd.s32 s5, s10  }
0xf: {  	v0 =	vimm.f32 $1.000000000e+00;
	s6 =	smax.u32 s6, $0x1;
	s10 =	sadd.s32 s10, s11;
	s11 =	simm.s32 $0x280  }
.LBB2_2:
0x10: {  	s14 =	simm.s32 $0x0  }
0x11: {  	[tilespmem:s14], [sflag:$0x1] =	stream.strided.gather [hbm4b:s5+s7], $0x280, s8, s7, $0x38;
	[tilespmem:$0x4500] =	vst v63  }
0x12: {  	_ =	swait.ge [sflag:s9], $0x280  }
0x13: {  	[sflag:s9] =	ssyncset.done $0x0  }
0x14: {  	[sflag:s9] =	ssyncadd.s32 $0xFFFFFD80  }
0x15: {  	[tilespmem:s11], [sflag:$0x1] =	stream.strided.gather [hbm4b:s10+s7], $0x280, s8, s7, $0x38;
	[tilespmem:$0x4500] =	vst v63  }
0x16: {  	_ =	swait.ge [sflag:s9], $0x280  }
0x17: {  	[sflag:s9] =	ssyncset.done $0x0  }
0x18: {  	[sflag:s9] =	ssyncadd.s32 $0xFFFFFD80  }
0x19: {  	[tilespmem:s12], [sflag:$0x1] =	stream.linear.gather [hbm4b:s3+s14], $0x4000, $0x38;
	[tilespmem:$0x4500] =	vst v63  }
0x1a: {  	_ =	swait.ge [sflag:s9], $0x4000  }
0x1b: {  	[sflag:s9] =	ssyncset.done $0x0  }
0x1c: {  	s15 =	simm.s32 $0x0;
	s14 =	simm.s32 $0x40;
	[sflag:s9] =	ssyncadd.s32 $0xFFFFC000  }
.LBB2_3:
0x1d: {  	p0 =	sne.s32 s14, $0x9C0;
	v1 =	vld [tilespmem:s15+$0x0]  }
0x1e: {  	v2 =	vld [tilespmem:s15+$0x280];
	_ =	sdelay $0x3  }
0x1f: {  	v3 =	vshll.u32 v1, $0x7  }
0x20: {  	v3 =	vadd.s32 v3, v2  }
.Ltmp1:
0x21: {  	(pc) =	sbr.rel @p0 .LBB2_3-.Ltmp1, $4  }
0x22: {  	_ = 	snop  }
0x23: {  	vm0 =	veq.s32 v1, v2  }
0x24: {  	v1 =	vsel vm0, $0x0, v0  }
0x25: {  	s15 =	sshra.s32 s14, $0x2;
	s14 =	sadd.s32 $0x40, s14;
	[tilespmem:v3+s12+$0x0] =	vst.idx.add.f32.msk $0xffff, v1  }
0x26: {  	v1 =	vld [tilespmem:s15+$0x0]  }
0x27: {  	v2 =	vld [tilespmem:s15+$0x280];
	_ =	sdelay $0x3  }
0x28: {  	v3 =	vshll.u32 v1, $0x7  }
0x29: {  	v3 =	vadd.s32 v3, v2;
	_ =	sdelay $0x2  }
0x2a: {  	s13 =	sadd.s32 $0x1, s13;
	vm0 =	veq.s32 v1, v2  }
0x2b: {  	p0 =	sne.s32 s13, s6;
	v1 =	vsel vm0, $0x0, v0  }
.Ltmp2:
0x2c: {  	[tilespmem:v3+s12+$0x0] =	vst.idx.add.f32.msk $0xffff, v1;
	(pc) =	sbr.rel @p0 .LBB2_2-.Ltmp2, $4  }
0x2d: {  	[hbm4b:s4+s2] =	stream.linear.scatter [tilespmem:s12], [sflag:$0x1], $0x4000, $0x38;
	[tilespmem:$0x4500] =	vst v63  }
0x2e: {  	_ =	swait.ge [sflag:s9], $0x4000  }
0x2f: {  	[sflag:s9] =	ssyncset.done $0x0  }
0x30: {  	[sflag:s9] =	ssyncadd.s32 $0xFFFFC000  }
.LBB2_5:
0x31: {  	_ =	sfence.sel $0x180000  }
0x32: {  	[bflag:$0x0] =	sbarrier.arrive $0xFFFF  }
0x33: {  	p0 =	sne.s32 s1, $0x0;
	_ =	strace $0x90000047  }
0x34: {  	s0 =	sadd.s32 @!p0 $0x100000, s0;
	[bflag:$0x2] =	sbarrier.arrive $0xFFFF  }
0x35: {  	[sflag:s0] =	ssyncadd.tile.s32 @!p0 $0x1;
	_ =	shalt  }
.Lfunc_end2:
_tile_overlayer_lowered:
.L_overlay_start_2:
0x36: {  	(tag) =	ssettag $0x2  }
0x37: {  	s0 =	rddreg [dreg:$0x0];
	s2 =	stileid.u32  }
0x38: {  	s1 =	rddreg [dreg:$0x1];
	p0 =	sne.s32 s2, $0x0  }
0x39: {  	s3 =	rddreg [dreg:$0x2];
	[bflag:$0x3] =	sbarrier.arrive $0xFFFF;
	s2 =	simm.s32 @!p0 $0x1C01  }
0x3a: {  	[timem:s3], [sflag:s2] =	dma.local @!p0 [hbm:s0], s1  }
0x3b: {  	s0 =	simm.s32 @!p0 $0x1  }
0x3c: {  	_ =	swait.ge @!p0 [sflag:s0], s1  }
0x3d: {  	s1 =	ssub.s32 @!p0 $0x0, s1;
	[sflag:s0] =	ssyncset.done @!p0 $0x0  }
0x3e: {  	[sflag:s0] =	ssyncadd.s32 @!p0 s1  }
0x3f: {  	[bflag:$0x3] =	sbarrier.arrive $0xFFFF  }
0x40: {  	_ =	shalt  }

</sc_bundles>
